<compile_context>
chip_gen: v7x
topology: tpu7x:2x2x1
jax: 0.10.2.dev20260603
libtpu: 0.0.44.dev20260713+nightly
codegen_flags: <defaults>
</compile_context>

<pallas_src>
import functools

import jax
import jax.numpy as jnp
from jax import lax
from jax.experimental import pallas as pl
from jax.experimental.pallas import tpu as pltpu
from jax.experimental.pallas import tpu_sc as plsc

_NUM_CODES = 8192
_CODE_DIM = 64
_B = 18432

_BT = 1024
_BC = 1024

_NC = 2
_NS = 16
_NW = _NC * _NS


def _argmin_body(z_ref, cb_ref, zn_ref, cbn_ref, idx_ref):
    z2 = 2.0 * z_ref[...]
    zn = zn_ref[...]
    halves = []
    chunks_per_half = (_NUM_CODES // 2) // _BC
    for h in range(2):
        best_d = jnp.full((_BT, 1), jnp.inf, jnp.float32)
        best_i = jnp.zeros((_BT, 1), jnp.int32)
        for cc in range(chunks_per_half):
            c = h * chunks_per_half + cc
            cb = cb_ref[pl.ds(c * _BC, _BC), :]
            dots2 = lax.dot_general(z2, cb, (((1,), (1,)), ((), ())))
            d = (zn + cbn_ref[:, pl.ds(c * _BC, _BC)]) - dots2
            m = jnp.min(d, axis=1, keepdims=True)
            ids = lax.broadcasted_iota(jnp.int32, (_BT, _BC), 1)
            li = jnp.min(jnp.where(d == m, ids, _BC), axis=1,
                         keepdims=True) + c * _BC
            upd = m < best_d
            best_d = jnp.where(upd, m, best_d)
            best_i = jnp.where(upd, li, best_i)
        halves.append((best_d, best_i))
    (d0, i0), (d1, i1) = halves
    d0r = d0.astype(jnp.bfloat16).astype(jnp.float32)
    sel = d1 < d0r
    idx_ref[...] = jnp.where(sel, i1, i0)


def _tc_argmin(z_e, codebook, zn, cbn):
    return pl.pallas_call(
        _argmin_body,
        grid=(_B // _BT,),
        in_specs=[
            pl.BlockSpec((_BT, _CODE_DIM), lambda i: (i, 0)),
            pl.BlockSpec((_NUM_CODES, _CODE_DIM), lambda i: (0, 0)),
            pl.BlockSpec((_BT, 1), lambda i: (i, 0)),
            pl.BlockSpec((1, _NUM_CODES), lambda i: (0, 0)),
        ],
        out_specs=pl.BlockSpec((_BT, 1), lambda i: (i, 0)),
        out_shape=jax.ShapeDtypeStruct((_B, 1), jnp.int32),
    )(z_e, codebook, zn, cbn)


_B_PER_W = _B // _NW


def _sc_gather_body(table_hbm, idx_hbm, out_hbm, idx_v, rows_v, sem):
    wid = lax.axis_index("s") * _NC + lax.axis_index("c")
    base = wid * _B_PER_W
    pltpu.sync_copy(idx_hbm.at[pl.ds(base, _B_PER_W)], idx_v)
    pltpu.async_copy(table_hbm.at[idx_v], rows_v, sem).wait()
    pltpu.sync_copy(rows_v, out_hbm.at[pl.ds(base, _B_PER_W)])


def _sc_gather(codebook, indices):
    mesh = plsc.VectorSubcoreMesh(core_axis_name="c", subcore_axis_name="s")
    k = functools.partial(
        pl.kernel,
        mesh=mesh,
        out_type=jax.ShapeDtypeStruct((_B, _CODE_DIM), jnp.float32),
        scratch_types=[
            pltpu.VMEM((_B_PER_W,), jnp.int32),
            pltpu.VMEM((_B_PER_W, _CODE_DIM), jnp.float32),
            pltpu.SemaphoreType.DMA,
        ],
        compiler_params=pltpu.CompilerParams(use_tc_tiling_on_sc=False),
    )(_sc_gather_body)
    return k(codebook, indices)


def kernel(z_e, codebook):
    zn = jnp.sum(z_e * z_e, axis=1, keepdims=True)
    cbn = jnp.sum(codebook * codebook, axis=1, keepdims=True)
    idx2d = _tc_argmin(z_e, codebook, zn, cbn.T)
    indices = idx2d.reshape(_B)
    z_q = _sc_gather(codebook, indices)
    return (z_q, indices)

# --- scband reference (transcript-rebuilt; emitter-appended) ---
"""Pipeline reference for scband-lfqquantizer-ema-kmeans-31052613550670 (READ-ONLY COPY).

The authoritative reference and input builder live on the scoring server;
editing this copy changes nothing except your own understanding.
"""

import jax, jax.numpy as jnp
import numpy as np

NUM_CODES = 8192
CODE_DIM = 64
B = 18432

def setup_inputs(seed: int = 0) -> dict:
    key = jax.random.key(seed)
    k1, k2 = jax.random.split(key)
    z_e = jax.random.normal(k1, (B, CODE_DIM), dtype=jnp.float32)
    # kaiming_normal_ on (num_codes, code_dim): std = sqrt(2 / fan_in) with fan_in = code_dim
    codebook = jax.random.normal(k2, (NUM_CODES, CODE_DIM), dtype=jnp.float32) * jnp.sqrt(2.0 / CODE_DIM)
    return {"z_e": z_e, "codebook": codebook}

def reference(z_e, codebook):
    # Efficient L2 distance: ||a - b||^2 = ||a||^2 + ||b||^2 - 2*a.b
    z_e_norm = jnp.sum(z_e * z_e, axis=1, keepdims=True)
    cb_norm = jnp.sum(codebook * codebook, axis=1, keepdims=True)
    dots = jnp.matmul(z_e, codebook.T)
    distances = z_e_norm + cb_norm.T - 2.0 * dots
    indices = jnp.argmin(distances, axis=1)
    z_q = jnp.take(codebook, indices, axis=0)
    return (z_q, indices)

if __name__ == "__main__":
    import jax
    _d = setup_inputs()
    print(jax.jit(kernel)(*tuple(_d.values())))

</pallas_src>

<mosaic_0001>
#map = affine_map<(d0, d1) -> (0, 0)>
#map1 = affine_map<(d0, d1) -> (0)>
module attributes {stable_mosaic.version = 14 : i64} {
  func.func @_sc_gather_body(%arg0: i32, %arg1: i32, %arg2: memref<8192x64xf32, #tpu.memory_space<hbm>>, %arg3: memref<18432xi32, #tpu.memory_space<hbm>>, %arg4: memref<18432x64xf32, #tpu.memory_space<hbm>>, %arg5: memref<576xi32, #tpu.memory_space<vmem>>, %arg6: memref<576x64xf32, #tpu.memory_space<vmem>>, %arg7: memref<!tpu.dma_semaphore, #tpu.memory_space<semaphore_mem>>) attributes {dimension_semantics = [#tpu.dimension_semantics<core_parallel>, #tpu.dimension_semantics<subcore_parallel>], iteration_bounds = array<i64: 2, 16>, scalar_prefetch = 0 : i64, scratch_operands = 3 : i64, tpu.core_type = #tpu.core_type<sc_vector_subcore>, window_params = [{transform_indices = #map}, {transform_indices = #map1}, {transform_indices = #map}]} {
    %mul3A = arith.constant 2 : i32
    %mul3A_0 = arith.muli %arg1, %mul3A : i32
    %add3A = arith.addi %mul3A_0, %arg0 : i32
    %mul3A_1 = arith.constant 576 : i32
    %mul3A_2 = arith.muli %add3A, %mul3A_1 : i32
    "tpu.region"() ({
      %run_scoped3A = tpu.sem_alloc : memref<!tpu.dma_semaphore, #tpu.memory_space<semaphore_mem>>
      %dma_start3A_7 = tpu.memref_slice %arg3[%mul3A_2] : memref<18432xi32, #tpu.memory_space<hbm>> -> memref<576xi32, #tpu.memory_space<hbm>>
      %dma_start3A_8 = tpu.memref_slice %arg3[%mul3A_2] : memref<18432xi32, #tpu.memory_space<hbm>> -> memref<576xi32, #tpu.memory_space<hbm>>
      tpu.enqueue_dma source(%dma_start3A_8 : memref<576xi32, #tpu.memory_space<hbm>>) target(%arg5 : memref<576xi32, #tpu.memory_space<vmem>>) target_semaphore(%run_scoped3A : memref<!tpu.dma_semaphore, #tpu.memory_space<semaphore_mem>>)
      %dma_wait3A_9 = tpu.memref_slice %arg3[%mul3A_2] : memref<18432xi32, #tpu.memory_space<hbm>> -> memref<576xi32, #tpu.memory_space<hbm>>
      %dma_wait3A_10 = tpu.memref_slice %arg3[%mul3A_2] : memref<18432xi32, #tpu.memory_space<hbm>> -> memref<576xi32, #tpu.memory_space<hbm>>
      tpu.wait_dma2 semaphore(%run_scoped3A : memref<!tpu.dma_semaphore, #tpu.memory_space<semaphore_mem>>) src(%dma_wait3A_10 : memref<576xi32, #tpu.memory_space<hbm>>) dst(%arg5 : memref<576xi32, #tpu.memory_space<vmem>>)
      tpu.yield
    }) : () -> ()
    %dma_start3A = arith.constant 0 : i32
    %dma_start3A_3 = arith.constant 0 : i32
    %dma_start3A_4 = tpu.memref_slice %arg2[%dma_start3A, %dma_start3A_3] : memref<8192x64xf32, #tpu.memory_space<hbm>> -> memref<8192x64xf32, #tpu.memory_space<hbm>>
    tpu.enqueue_indirect_dma source(%dma_start3A_4 : memref<8192x64xf32, #tpu.memory_space<hbm>>) target(%arg6 : memref<576x64xf32, #tpu.memory_space<vmem>>) offsets(%arg5 : memref<576xi32, #tpu.memory_space<vmem>>) semaphore(%arg7 : memref<!tpu.dma_semaphore, #tpu.memory_space<semaphore_mem>>)
    %dma_wait3A = arith.constant 0 : i32
    %dma_wait3A_5 = arith.constant 0 : i32
    %dma_wait3A_6 = tpu.memref_slice %arg2[%dma_wait3A, %dma_wait3A_5] : memref<8192x64xf32, #tpu.memory_space<hbm>> -> memref<8192x64xf32, #tpu.memory_space<hbm>>
    tpu.wait_indirect_dma semaphore(%arg7 : memref<!tpu.dma_semaphore, #tpu.memory_space<semaphore_mem>>) src(%dma_wait3A_6 : memref<8192x64xf32, #tpu.memory_space<hbm>>) dst(%arg6 : memref<576x64xf32, #tpu.memory_space<vmem>>)
    "tpu.region"() ({
      %run_scoped3A = tpu.sem_alloc : memref<!tpu.dma_semaphore, #tpu.memory_space<semaphore_mem>>
      %dma_start3A_7 = arith.constant 0 : i32
      %dma_start3A_8 = tpu.memref_slice %arg4[%mul3A_2, %dma_start3A_7] : memref<18432x64xf32, #tpu.memory_space<hbm>> -> memref<576x64xf32, #tpu.memory_space<hbm>>
      %dma_start3A_9 = arith.constant 0 : i32
      %dma_start3A_10 = tpu.memref_slice %arg4[%mul3A_2, %dma_start3A_9] : memref<18432x64xf32, #tpu.memory_space<hbm>> -> memref<576x64xf32, #tpu.memory_space<hbm>>
      tpu.enqueue_dma source(%arg6 : memref<576x64xf32, #tpu.memory_space<vmem>>) target(%dma_start3A_10 : memref<576x64xf32, #tpu.memory_space<hbm>>) target_semaphore(%run_scoped3A : memref<!tpu.dma_semaphore, #tpu.memory_space<semaphore_mem>>)
      %dma_wait3A_11 = arith.constant 0 : i32
      %dma_wait3A_12 = tpu.memref_slice %arg4[%mul3A_2, %dma_wait3A_11] : memref<18432x64xf32, #tpu.memory_space<hbm>> -> memref<576x64xf32, #tpu.memory_space<hbm>>
      %dma_wait3A_13 = arith.constant 0 : i32
      %dma_wait3A_14 = tpu.memref_slice %arg4[%mul3A_2, %dma_wait3A_13] : memref<18432x64xf32, #tpu.memory_space<hbm>> -> memref<576x64xf32, #tpu.memory_space<hbm>>
      tpu.wait_dma2 semaphore(%run_scoped3A : memref<!tpu.dma_semaphore, #tpu.memory_space<semaphore_mem>>) src(%arg6 : memref<576x64xf32, #tpu.memory_space<vmem>>) dst(%dma_wait3A_14 : memref<576x64xf32, #tpu.memory_space<hbm>>)
      tpu.yield
    }) : () -> ()
    return
  }
}

module attributes {stable_mosaic.version = 14 : i64} {
  func.func @_argmin_body(%arg0: i32, %arg1: memref<1024x64xf32, #tpu.memory_space<vmem>>, %arg2: memref<8192x64xf32, #tpu.memory_space<vmem>>, %arg3: memref<1024x1xf32, #tpu.memory_space<vmem>>, %arg4: memref<1x8192xf32, #tpu.memory_space<vmem>>, %arg5: memref<1024x1xi32, #tpu.memory_space<vmem>>) attributes {dimension_semantics = [#tpu.dimension_semantics<arbitrary>], iteration_bounds = array<i64: 18>, scalar_prefetch = 0 : i64, scratch_operands = 0 : i64, tpu.core_type = #tpu.core_type<tc>, window_params = [{transform_indices = @transform_0, window_bounds = array<i64: 1024, 64>}, {pipeline_mode = #tpu.pipeline_mode<synchronous>, transform_indices = @transform_1, window_bounds = array<i64: 8192, 64>}, {transform_indices = @transform_2, window_bounds = array<i64: 1024, 1>}, {pipeline_mode = #tpu.pipeline_mode<synchronous>, transform_indices = @transform_3, window_bounds = array<i64: 1, 8192>}, {transform_indices = @transform_4, window_bounds = array<i64: 1024, 1>}]} {
    %get3A = arith.constant 0 : index
    %get3A_0 = arith.constant 0 : index
    %get3A_1 = vector.load %arg1[%get3A, %get3A_0] : memref<1024x64xf32, #tpu.memory_space<vmem>>, vector<1024x64xf32>
    %mul3A = arith.constant 2.000000e+00 : f32
    %mul3A_2 = vector.broadcast %mul3A : f32 to vector<1024x64xf32>
    %mul3A_3 = arith.mulf %mul3A_2, %get3A_1 : vector<1024x64xf32>
    %get3A_4 = arith.constant 0 : index
    %get3A_5 = arith.constant 0 : index
    %get3A_6 = vector.load %arg3[%get3A_4, %get3A_5] : memref<1024x1xf32, #tpu.memory_space<vmem>>, vector<1024x1xf32>
    %broadcast_in_dim3A = arith.constant 0x7F800000 : f32
    %broadcast_in_dim3A_7 = vector.broadcast %broadcast_in_dim3A : f32 to vector<1024x1xf32>
    %broadcast_in_dim3A_8 = arith.constant 0 : i32
    %broadcast_in_dim3A_9 = vector.broadcast %broadcast_in_dim3A_8 : i32 to vector<1024x1xi32>
    %get3A_10 = arith.constant 0 : index
    %get3A_11 = arith.constant 0 : index
    %get3A_12 = vector.load %arg2[%get3A_10, %get3A_11] : memref<8192x64xf32, #tpu.memory_space<vmem>>, vector<1024x64xf32>
    %dot_general3A = arith.constant dense<0.000000e+00> : vector<1024x1024xf32>
    %dot_general3A_13 = tpu.matmul %mul3A_3, %get3A_12, %dot_general3A {dimension_numbers = #tpu.dot_dimension_numbers<[1], [1], [0], [0], [0, 0, 1, 0], [], []>, transpose_lhs_hint = false} : vector<1024x64xf32>, vector<1024x64xf32>, vector<1024x1024xf32> -> vector<1024x1024xf32>
    %get3A_14 = arith.constant 0 : index
    %get3A_15 = arith.constant 0 : index
    %get3A_16 = vector.load %arg4[%get3A_14, %get3A_15] : memref<1x8192xf32, #tpu.memory_space<vmem>>, vector<1x1024xf32>
    %add3A = vector.broadcast %get3A_6 : vector<1024x1xf32> to vector<1024x1024xf32>
    %add3A_17 = vector.broadcast %get3A_16 : vector<1x1024xf32> to vector<1024x1024xf32>
    %add3A_18 = arith.addf %add3A, %add3A_17 : vector<1024x1024xf32>
    %sub3A = arith.subf %add3A_18, %dot_general3A_13 : vector<1024x1024xf32>
    %reduce_min3A = arith.constant dense<0x7F800000> : vector<1024xf32>
    %reduce_min3A_19 = vector.multi_reduction <minimumf>, %sub3A, %reduce_min3A [1] : vector<1024x1024xf32> to vector<1024xf32>
    %broadcast_in_dim3A_20 = vector.shape_cast %reduce_min3A_19 : vector<1024xf32> to vector<1024x1xf32>
    %iota3A = tpu.iota {dimensions = array<i32: 1>} : vector<1024x1024xi32>
    %eq3A = vector.broadcast %broadcast_in_dim3A_20 : vector<1024x1xf32> to vector<1024x1024xf32>
    %eq3A_21 = arith.cmpf oeq, %sub3A, %eq3A : vector<1024x1024xf32>
    %jit3A = arith.constant 1024 : i32
    %broadcast_in_dim3A_22 = vector.broadcast %jit3A : i32 to vector<1024x1024xi32>
    %select_n3A = arith.select %eq3A_21, %iota3A, %broadcast_in_dim3A_22 : vector<1024x1024xi1>, vector<1024x1024xi32>
    %reduce_min3A_23 = arith.constant dense<2147483647> : vector<1024xi32>
    %reduce_min3A_24 = vector.multi_reduction <minsi>, %select_n3A, %reduce_min3A_23 [1] : vector<1024x1024xi32> to vector<1024xi32>
    %broadcast_in_dim3A_25 = vector.shape_cast %reduce_min3A_24 : vector<1024xi32> to vector<1024x1xi32>
    %add3A_26 = arith.constant 0 : i32
    %add3A_27 = vector.broadcast %add3A_26 : i32 to vector<1024x1xi32>
    %add3A_28 = arith.addi %broadcast_in_dim3A_25, %add3A_27 : vector<1024x1xi32>
    %lt3A = arith.cmpf olt, %broadcast_in_dim3A_20, %broadcast_in_dim3A_7 : vector<1024x1xf32>
    %select_n3A_29 = arith.select %lt3A, %broadcast_in_dim3A_20, %broadcast_in_dim3A_7 : vector<1024x1xi1>, vector<1024x1xf32>
    %select_n3A_30 = arith.select %lt3A, %add3A_28, %broadcast_in_dim3A_9 : vector<1024x1xi1>, vector<1024x1xi32>
    %get3A_31 = arith.constant 1024 : index
    %get3A_32 = arith.constant 0 : index
    %get3A_33 = vector.load %arg2[%get3A_31, %get3A_32] : memref<8192x64xf32, #tpu.memory_space<vmem>>, vector<1024x64xf32>
    %dot_general3A_34 = arith.constant dense<0.000000e+00> : vector<1024x1024xf32>
    %dot_general3A_35 = tpu.matmul %mul3A_3, %get3A_33, %dot_general3A_34 {dimension_numbers = #tpu.dot_dimension_numbers<[1], [1], [0], [0], [0, 0, 1, 0], [], []>, transpose_lhs_hint = false} : vector<1024x64xf32>, vector<1024x64xf32>, vector<1024x1024xf32> -> vector<1024x1024xf32>
    %get3A_36 = arith.constant 0 : index
    %get3A_37 = arith.constant 1024 : index
    %get3A_38 = vector.load %arg4[%get3A_36, %get3A_37] : memref<1x8192xf32, #tpu.memory_space<vmem>>, vector<1x1024xf32>
    %add3A_39 = vector.broadcast %get3A_6 : vector<1024x1xf32> to vector<1024x1024xf32>
    %add3A_40 = vector.broadcast %get3A_38 : vector<1x1024xf32> to vector<1024x1024xf32>
    %add3A_41 = arith.addf %add3A_39, %add3A_40 : vector<1024x1024xf32>
    %sub3A_42 = arith.subf %add3A_41, %dot_general3A_35 : vector<1024x1024xf32>
    %reduce_min3A_43 = arith.constant dense<0x7F800000> : vector<1024xf32>
    %reduce_min3A_44 = vector.multi_reduction <minimumf>, %sub3A_42, %reduce_min3A_43 [1] : vector<1024x1024xf32> to vector<1024xf32>
    %broadcast_in_dim3A_45 = vector.shape_cast %reduce_min3A_44 : vector<1024xf32> to vector<1024x1xf32>
    %iota3A_46 = tpu.iota {dimensions = array<i32: 1>} : vector<1024x1024xi32>
    %eq3A_47 = vector.broadcast %broadcast_in_dim3A_45 : vector<1024x1xf32> to vector<1024x1024xf32>
    %eq3A_48 = arith.cmpf oeq, %sub3A_42, %eq3A_47 : vector<1024x1024xf32>
    %jit3A_49 = arith.constant 1024 : i32
    %broadcast_in_dim3A_50 = vector.broadcast %jit3A_49 : i32 to vector<1024x1024xi32>
    %select_n3A_51 = arith.select %eq3A_48, %iota3A_46, %broadcast_in_dim3A_50 : vector<1024x1024xi1>, vector<1024x1024xi32>
    %reduce_min3A_52 = arith.constant dense<2147483647> : vector<1024xi32>
    %reduce_min3A_53 = vector.multi_reduction <minsi>, %select_n3A_51, %reduce_min3A_52 [1] : vector<1024x1024xi32> to vector<1024xi32>
    %broadcast_in_dim3A_54 = vector.shape_cast %reduce_min3A_53 : vector<1024xi32> to vector<1024x1xi32>
    %add3A_55 = arith.constant 1024 : i32
    %add3A_56 = vector.broadcast %add3A_55 : i32 to vector<1024x1xi32>
    %add3A_57 = arith.addi %broadcast_in_dim3A_54, %add3A_56 : vector<1024x1xi32>
    %lt3A_58 = arith.cmpf olt, %broadcast_in_dim3A_45, %select_n3A_29 : vector<1024x1xf32>
    %select_n3A_59 = arith.select %lt3A_58, %broadcast_in_dim3A_45, %select_n3A_29 : vector<1024x1xi1>, vector<1024x1xf32>
    %select_n3A_60 = arith.select %lt3A_58, %add3A_57, %select_n3A_30 : vector<1024x1xi1>, vector<1024x1xi32>
    %get3A_61 = arith.constant 2048 : index
    %get3A_62 = arith.constant 0 : index
    %get3A_63 = vector.load %arg2[%get3A_61, %get3A_62] : memref<8192x64xf32, #tpu.memory_space<vmem>>, vector<1024x64xf32>
    %dot_general3A_64 = arith.constant dense<0.000000e+00> : vector<1024x1024xf32>
    %dot_general3A_65 = tpu.matmul %mul3A_3, %get3A_63, %dot_general3A_64 {dimension_numbers = #tpu.dot_dimension_numbers<[1], [1], [0], [0], [0, 0, 1, 0], [], []>, transpose_lhs_hint = false} : vector<1024x64xf32>, vector<1024x64xf32>, vector<1024x1024xf32> -> vector<1024x1024xf32>
    %get3A_66 = arith.constant 0 : index
    %get3A_67 = arith.constant 2048 : index
    %get3A_68 = vector.load %arg4[%get3A_66, %get3A_67] : memref<1x8192xf32, #tpu.memory_space<vmem>>, vector<1x1024xf32>
    %add3A_69 = vector.broadcast %get3A_6 : vector<1024x1xf32> to vector<1024x1024xf32>
    %add3A_70 = vector.broadcast %get3A_68 : vector<1x1024xf32> to vector<1024x1024xf32>
    %add3A_71 = arith.addf %add3A_69, %add3A_70 : vector<1024x1024xf32>
    %sub3A_72 = arith.subf %add3A_71, %dot_general3A_65 : vector<1024x1024xf32>
    %reduce_min3A_73 = arith.constant dense<0x7F800000> : vector<1024xf32>
    %reduce_min3A_74 = vector.multi_reduction <minimumf>, %sub3A_72, %reduce_min3A_73 [1] : vector<1024x1024xf32> to vector<1024xf32>
    %broadcast_in_dim3A_75 = vector.shape_cast %reduce_min3A_74 : vector<1024xf32> to vector<1024x1xf32>
    %iota3A_76 = tpu.iota {dimensions = array<i32: 1>} : vector<1024x1024xi32>
    %eq3A_77 = vector.broadcast %broadcast_in_dim3A_75 : vector<1024x1xf32> to vector<1024x1024xf32>
    %eq3A_78 = arith.cmpf oeq, %sub3A_72, %eq3A_77 : vector<1024x1024xf32>
    %jit3A_79 = arith.constant 1024 : i32
    %broadcast_in_dim3A_80 = vector.broadcast %jit3A_79 : i32 to vector<1024x1024xi32>
    %select_n3A_81 = arith.select %eq3A_78, %iota3A_76, %broadcast_in_dim3A_80 : vector<1024x1024xi1>, vector<1024x1024xi32>
    %reduce_min3A_82 = arith.constant dense<2147483647> : vector<1024xi32>
    %reduce_min3A_83 = vector.multi_reduction <minsi>, %select_n3A_81, %reduce_min3A_82 [1] : vector<1024x1024xi32> to vector<1024xi32>
    %broadcast_in_dim3A_84 = vector.shape_cast %reduce_min3A_83 : vector<1024xi32> to vector<1024x1xi32>
    %add3A_85 = arith.constant 2048 : i32
    %add3A_86 = vector.broadcast %add3A_85 : i32 to vector<1024x1xi32>
    %add3A_87 = arith.addi %broadcast_in_dim3A_84, %add3A_86 : vector<1024x1xi32>
    %lt3A_88 = arith.cmpf olt, %broadcast_in_dim3A_75, %select_n3A_59 : vector<1024x1xf32>
    %select_n3A_89 = arith.select %lt3A_88, %broadcast_in_dim3A_75, %select_n3A_59 : vector<1024x1xi1>, vector<1024x1xf32>
    %select_n3A_90 = arith.select %lt3A_88, %add3A_87, %select_n3A_60 : vector<1024x1xi1>, vector<1024x1xi32>
    %get3A_91 = arith.constant 3072 : index
    %get3A_92 = arith.constant 0 : index
    %get3A_93 = vector.load %arg2[%get3A_91, %get3A_92] : memref<8192x64xf32, #tpu.memory_space<vmem>>, vector<1024x64xf32>
    %dot_general3A_94 = arith.constant dense<0.000000e+00> : vector<1024x1024xf32>
    %dot_general3A_95 = tpu.matmul %mul3A_3, %get3A_93, %dot_general3A_94 {dimension_numbers = #tpu.dot_dimension_numbers<[1], [1], [0], [0], [0, 0, 1, 0], [], []>, transpose_lhs_hint = false} : vector<1024x64xf32>, vector<1024x64xf32>, vector<1024x1024xf32> -> vector<1024x1024xf32>
    %get3A_96 = arith.constant 0 : index
    %get3A_97 = arith.constant 3072 : index
    %get3A_98 = vector.load %arg4[%get3A_96, %get3A_97] : memref<1x8192xf32, #tpu.memory_space<vmem>>, vector<1x1024xf32>
    %add3A_99 = vector.broadcast %get3A_6 : vector<1024x1xf32> to vector<1024x1024xf32>
    %add3A_100 = vector.broadcast %get3A_98 : vector<1x1024xf32> to vector<1024x1024xf32>
    %add3A_101 = arith.addf %add3A_99, %add3A_100 : vector<1024x1024xf32>
    %sub3A_102 = arith.subf %add3A_101, %dot_general3A_95 : vector<1024x1024xf32>
    %reduce_min3A_103 = arith.constant dense<0x7F800000> : vector<1024xf32>
    %reduce_min3A_104 = vector.multi_reduction <minimumf>, %sub3A_102, %reduce_min3A_103 [1] : vector<1024x1024xf32> to vector<1024xf32>
    %broadcast_in_dim3A_105 = vector.shape_cast %reduce_min3A_104 : vector<1024xf32> to vector<1024x1xf32>
    %iota3A_106 = tpu.iota {dimensions = array<i32: 1>} : vector<1024x1024xi32>
    %eq3A_107 = vector.broadcast %broadcast_in_dim3A_105 : vector<1024x1xf32> to vector<1024x1024xf32>
    %eq3A_108 = arith.cmpf oeq, %sub3A_102, %eq3A_107 : vector<1024x1024xf32>
    %jit3A_109 = arith.constant 1024 : i32
    %broadcast_in_dim3A_110 = vector.broadcast %jit3A_109 : i32 to vector<1024x1024xi32>
    %select_n3A_111 = arith.select %eq3A_108, %iota3A_106, %broadcast_in_dim3A_110 : vector<1024x1024xi1>, vector<1024x1024xi32>
    %reduce_min3A_112 = arith.constant dense<2147483647> : vector<1024xi32>
    %reduce_min3A_113 = vector.multi_reduction <minsi>, %select_n3A_111, %reduce_min3A_112 [1] : vector<1024x1024xi32> to vector<1024xi32>
    %broadcast_in_dim3A_114 = vector.shape_cast %reduce_min3A_113 : vector<1024xi32> to vector<1024x1xi32>
    %add3A_115 = arith.constant 3072 : i32
    %add3A_116 = vector.broadcast %add3A_115 : i32 to vector<1024x1xi32>
    %add3A_117 = arith.addi %broadcast_in_dim3A_114, %add3A_116 : vector<1024x1xi32>
    %lt3A_118 = arith.cmpf olt, %broadcast_in_dim3A_105, %select_n3A_89 : vector<1024x1xf32>
    %select_n3A_119 = arith.select %lt3A_118, %broadcast_in_dim3A_105, %select_n3A_89 : vector<1024x1xi1>, vector<1024x1xf32>
    %select_n3A_120 = arith.select %lt3A_118, %add3A_117, %select_n3A_90 : vector<1024x1xi1>, vector<1024x1xi32>
    %broadcast_in_dim3A_121 = arith.constant 0x7F800000 : f32
    %broadcast_in_dim3A_122 = vector.broadcast %broadcast_in_dim3A_121 : f32 to vector<1024x1xf32>
    %broadcast_in_dim3A_123 = arith.constant 0 : i32
    %broadcast_in_dim3A_124 = vector.broadcast %broadcast_in_dim3A_123 : i32 to vector<1024x1xi32>
    %get3A_125 = arith.constant 4096 : index
    %get3A_126 = arith.constant 0 : index
    %get3A_127 = vector.load %arg2[%get3A_125, %get3A_126] : memref<8192x64xf32, #tpu.memory_space<vmem>>, vector<1024x64xf32>
    %dot_general3A_128 = arith.constant dense<0.000000e+00> : vector<1024x1024xf32>
    %dot_general3A_129 = tpu.matmul %mul3A_3, %get3A_127, %dot_general3A_128 {dimension_numbers = #tpu.dot_dimension_numbers<[1], [1], [0], [0], [0, 0, 1, 0], [], []>, transpose_lhs_hint = false} : vector<1024x64xf32>, vector<1024x64xf32>, vector<1024x1024xf32> -> vector<1024x1024xf32>
    %get3A_130 = arith.constant 0 : index
    %get3A_131 = arith.constant 4096 : index
    %get3A_132 = vector.load %arg4[%get3A_130, %get3A_131] : memref<1x8192xf32, #tpu.memory_space<vmem>>, vector<1x1024xf32>
    %add3A_133 = vector.broadcast %get3A_6 : vector<1024x1xf32> to vector<1024x1024xf32>
    %add3A_134 = vector.broadcast %get3A_132 : vector<1x1024xf32> to vector<1024x1024xf32>
    %add3A_135 = arith.addf %add3A_133, %add3A_134 : vector<1024x1024xf32>
    %sub3A_136 = arith.subf %add3A_135, %dot_general3A_129 : vector<1024x1024xf32>
    %reduce_min3A_137 = arith.constant dense<0x7F800000> : vector<1024xf32>
    %reduce_min3A_138 = vector.multi_reduction <minimumf>, %sub3A_136, %reduce_min3A_137 [1] : vector<1024x1024xf32> to vector<1024xf32>
    %broadcast_in_dim3A_139 = vector.shape_cast %reduce_min3A_138 : vector<1024xf32> to vector<1024x1xf32>
    %iota3A_140 = tpu.iota {dimensions = array<i32: 1>} : vector<1024x1024xi32>
    %eq3A_141 = vector.broadcast %broadcast_in_dim3A_139 : vector<1024x1xf32> to vector<1024x1024xf32>
    %eq3A_142 = arith.cmpf oeq, %sub3A_136, %eq3A_141 : vector<1024x1024xf32>
    %jit3A_143 = arith.constant 1024 : i32
    %broadcast_in_dim3A_144 = vector.broadcast %jit3A_143 : i32 to vector<1024x1024xi32>
    %select_n3A_145 = arith.select %eq3A_142, %iota3A_140, %broadcast_in_dim3A_144 : vector<1024x1024xi1>, vector<1024x1024xi32>
    %reduce_min3A_146 = arith.constant dense<2147483647> : vector<1024xi32>
    %reduce_min3A_147 = vector.multi_reduction <minsi>, %select_n3A_145, %reduce_min3A_146 [1] : vector<1024x1024xi32> to vector<1024xi32>
    %broadcast_in_dim3A_148 = vector.shape_cast %reduce_min3A_147 : vector<1024xi32> to vector<1024x1xi32>
    %add3A_149 = arith.constant 4096 : i32
    %add3A_150 = vector.broadcast %add3A_149 : i32 to vector<1024x1xi32>
    %add3A_151 = arith.addi %broadcast_in_dim3A_148, %add3A_150 : vector<1024x1xi32>
    %lt3A_152 = arith.cmpf olt, %broadcast_in_dim3A_139, %broadcast_in_dim3A_122 : vector<1024x1xf32>
    %select_n3A_153 = arith.select %lt3A_152, %broadcast_in_dim3A_139, %broadcast_in_dim3A_122 : vector<1024x1xi1>, vector<1024x1xf32>
    %select_n3A_154 = arith.select %lt3A_152, %add3A_151, %broadcast_in_dim3A_124 : vector<1024x1xi1>, vector<1024x1xi32>
    %get3A_155 = arith.constant 5120 : index
    %get3A_156 = arith.constant 0 : index
    %get3A_157 = vector.load %arg2[%get3A_155, %get3A_156] : memref<8192x64xf32, #tpu.memory_space<vmem>>, vector<1024x64xf32>
    %dot_general3A_158 = arith.constant dense<0.000000e+00> : vector<1024x1024xf32>
    %dot_general3A_159 = tpu.matmul %mul3A_3, %get3A_157, %dot_general3A_158 {dimension_numbers = #tpu.dot_dimension_numbers<[1], [1], [0], [0], [0, 0, 1, 0], [], []>, transpose_lhs_hint = false} : vector<1024x64xf32>, vector<1024x64xf32>, vector<1024x1024xf32> -> vector<1024x1024xf32>
    %get3A_160 = arith.constant 0 : index
    %get3A_161 = arith.constant 5120 : index
    %get3A_162 = vector.load %arg4[%get3A_160, %get3A_161] : memref<1x8192xf32, #tpu.memory_space<vmem>>, vector<1x1024xf32>
    %add3A_163 = vector.broadcast %get3A_6 : vector<1024x1xf32> to vector<1024x1024xf32>
    %add3A_164 = vector.broadcast %get3A_162 : vector<1x1024xf32> to vector<1024x1024xf32>
    %add3A_165 = arith.addf %add3A_163, %add3A_164 : vector<1024x1024xf32>
    %sub3A_166 = arith.subf %add3A_165, %dot_general3A_159 : vector<1024x1024xf32>
    %reduce_min3A_167 = arith.constant dense<0x7F800000> : vector<1024xf32>
    %reduce_min3A_168 = vector.multi_reduction <minimumf>, %sub3A_166, %reduce_min3A_167 [1] : vector<1024x1024xf32> to vector<1024xf32>
    %broadcast_in_dim3A_169 = vector.shape_cast %reduce_min3A_168 : vector<1024xf32> to vector<1024x1xf32>
    %iota3A_170 = tpu.iota {dimensions = array<i32: 1>} : vector<1024x1024xi32>
    %eq3A_171 = vector.broadcast %broadcast_in_dim3A_169 : vector<1024x1xf32> to vector<1024x1024xf32>
    %eq3A_172 = arith.cmpf oeq, %sub3A_166, %eq3A_171 : vector<1024x1024xf32>
    %jit3A_173 = arith.constant 1024 : i32
    %broadcast_in_dim3A_174 = vector.broadcast %jit3A_173 : i32 to vector<1024x1024xi32>
    %select_n3A_175 = arith.select %eq3A_172, %iota3A_170, %broadcast_in_dim3A_174 : vector<1024x1024xi1>, vector<1024x1024xi32>
    %reduce_min3A_176 = arith.constant dense<2147483647> : vector<1024xi32>
    %reduce_min3A_177 = vector.multi_reduction <minsi>, %select_n3A_175, %reduce_min3A_176 [1] : vector<1024x1024xi32> to vector<1024xi32>
    %broadcast_in_dim3A_178 = vector.shape_cast %reduce_min3A_177 : vector<1024xi32> to vector<1024x1xi32>
    %add3A_179 = arith.constant 5120 : i32
    %add3A_180 = vector.broadcast %add3A_179 : i32 to vector<1024x1xi32>
    %add3A_181 = arith.addi %broadcast_in_dim3A_178, %add3A_180 : vector<1024x1xi32>
    %lt3A_182 = arith.cmpf olt, %broadcast_in_dim3A_169, %select_n3A_153 : vector<1024x1xf32>
    %select_n3A_183 = arith.select %lt3A_182, %broadcast_in_dim3A_169, %select_n3A_153 : vector<1024x1xi1>, vector<1024x1xf32>
    %select_n3A_184 = arith.select %lt3A_182, %add3A_181, %select_n3A_154 : vector<1024x1xi1>, vector<1024x1xi32>
    %get3A_185 = arith.constant 6144 : index
    %get3A_186 = arith.constant 0 : index
    %get3A_187 = vector.load %arg2[%get3A_185, %get3A_186] : memref<8192x64xf32, #tpu.memory_space<vmem>>, vector<1024x64xf32>
    %dot_general3A_188 = arith.constant dense<0.000000e+00> : vector<1024x1024xf32>
    %dot_general3A_189 = tpu.matmul %mul3A_3, %get3A_187, %dot_general3A_188 {dimension_numbers = #tpu.dot_dimension_numbers<[1], [1], [0], [0], [0, 0, 1, 0], [], []>, transpose_lhs_hint = false} : vector<1024x64xf32>, vector<1024x64xf32>, vector<1024x1024xf32> -> vector<1024x1024xf32>
    %get3A_190 = arith.constant 0 : index
    %get3A_191 = arith.constant 6144 : index
    %get3A_192 = vector.load %arg4[%get3A_190, %get3A_191] : memref<1x8192xf32, #tpu.memory_space<vmem>>, vector<1x1024xf32>
    %add3A_193 = vector.broadcast %get3A_6 : vector<1024x1xf32> to vector<1024x1024xf32>
    %add3A_194 = vector.broadcast %get3A_192 : vector<1x1024xf32> to vector<1024x1024xf32>
    %add3A_195 = arith.addf %add3A_193, %add3A_194 : vector<1024x1024xf32>
    %sub3A_196 = arith.subf %add3A_195, %dot_general3A_189 : vector<1024x1024xf32>
    %reduce_min3A_197 = arith.constant dense<0x7F800000> : vector<1024xf32>
    %reduce_min3A_198 = vector.multi_reduction <minimumf>, %sub3A_196, %reduce_min3A_197 [1] : vector<1024x1024xf32> to vector<1024xf32>
    %broadcast_in_dim3A_199 = vector.shape_cast %reduce_min3A_198 : vector<1024xf32> to vector<1024x1xf32>
    %iota3A_200 = tpu.iota {dimensions = array<i32: 1>} : vector<1024x1024xi32>
    %eq3A_201 = vector.broadcast %broadcast_in_dim3A_199 : vector<1024x1xf32> to vector<1024x1024xf32>
    %eq3A_202 = arith.cmpf oeq, %sub3A_196, %eq3A_201 : vector<1024x1024xf32>
    %jit3A_203 = arith.constant 1024 : i32
    %broadcast_in_dim3A_204 = vector.broadcast %jit3A_203 : i32 to vector<1024x1024xi32>
    %select_n3A_205 = arith.select %eq3A_202, %iota3A_200, %broadcast_in_dim3A_204 : vector<1024x1024xi1>, vector<1024x1024xi32>
    %reduce_min3A_206 = arith.constant dense<2147483647> : vector<1024xi32>
    %reduce_min3A_207 = vector.multi_reduction <minsi>, %select_n3A_205, %reduce_min3A_206 [1] : vector<1024x1024xi32> to vector<1024xi32>
    %broadcast_in_dim3A_208 = vector.shape_cast %reduce_min3A_207 : vector<1024xi32> to vector<1024x1xi32>
    %add3A_209 = arith.constant 6144 : i32
    %add3A_210 = vector.broadcast %add3A_209 : i32 to vector<1024x1xi32>
    %add3A_211 = arith.addi %broadcast_in_dim3A_208, %add3A_210 : vector<1024x1xi32>
    %lt3A_212 = arith.cmpf olt, %broadcast_in_dim3A_199, %select_n3A_183 : vector<1024x1xf32>
    %select_n3A_213 = arith.select %lt3A_212, %broadcast_in_dim3A_199, %select_n3A_183 : vector<1024x1xi1>, vector<1024x1xf32>
    %select_n3A_214 = arith.select %lt3A_212, %add3A_211, %select_n3A_184 : vector<1024x1xi1>, vector<1024x1xi32>
    %get3A_215 = arith.constant 7168 : index
    %get3A_216 = arith.constant 0 : index
    %get3A_217 = vector.load %arg2[%get3A_215, %get3A_216] : memref<8192x64xf32, #tpu.memory_space<vmem>>, vector<1024x64xf32>
    %dot_general3A_218 = arith.constant dense<0.000000e+00> : vector<1024x1024xf32>
    %dot_general3A_219 = tpu.matmul %mul3A_3, %get3A_217, %dot_general3A_218 {dimension_numbers = #tpu.dot_dimension_numbers<[1], [1], [0], [0], [0, 0, 1, 0], [], []>, transpose_lhs_hint = false} : vector<1024x64xf32>, vector<1024x64xf32>, vector<1024x1024xf32> -> vector<1024x1024xf32>
    %get3A_220 = arith.constant 0 : index
    %get3A_221 = arith.constant 7168 : index
    %get3A_222 = vector.load %arg4[%get3A_220, %get3A_221] : memref<1x8192xf32, #tpu.memory_space<vmem>>, vector<1x1024xf32>
    %add3A_223 = vector.broadcast %get3A_6 : vector<1024x1xf32> to vector<1024x1024xf32>
    %add3A_224 = vector.broadcast %get3A_222 : vector<1x1024xf32> to vector<1024x1024xf32>
    %add3A_225 = arith.addf %add3A_223, %add3A_224 : vector<1024x1024xf32>
    %sub3A_226 = arith.subf %add3A_225, %dot_general3A_219 : vector<1024x1024xf32>
    %reduce_min3A_227 = arith.constant dense<0x7F800000> : vector<1024xf32>
    %reduce_min3A_228 = vector.multi_reduction <minimumf>, %sub3A_226, %reduce_min3A_227 [1] : vector<1024x1024xf32> to vector<1024xf32>
    %broadcast_in_dim3A_229 = vector.shape_cast %reduce_min3A_228 : vector<1024xf32> to vector<1024x1xf32>
    %iota3A_230 = tpu.iota {dimensions = array<i32: 1>} : vector<1024x1024xi32>
    %eq3A_231 = vector.broadcast %broadcast_in_dim3A_229 : vector<1024x1xf32> to vector<1024x1024xf32>
    %eq3A_232 = arith.cmpf oeq, %sub3A_226, %eq3A_231 : vector<1024x1024xf32>
    %jit3A_233 = arith.constant 1024 : i32
    %broadcast_in_dim3A_234 = vector.broadcast %jit3A_233 : i32 to vector<1024x1024xi32>
    %select_n3A_235 = arith.select %eq3A_232, %iota3A_230, %broadcast_in_dim3A_234 : vector<1024x1024xi1>, vector<1024x1024xi32>
    %reduce_min3A_236 = arith.constant dense<2147483647> : vector<1024xi32>
    %reduce_min3A_237 = vector.multi_reduction <minsi>, %select_n3A_235, %reduce_min3A_236 [1] : vector<1024x1024xi32> to vector<1024xi32>
    %broadcast_in_dim3A_238 = vector.shape_cast %reduce_min3A_237 : vector<1024xi32> to vector<1024x1xi32>
    %add3A_239 = arith.constant 7168 : i32
    %add3A_240 = vector.broadcast %add3A_239 : i32 to vector<1024x1xi32>
    %add3A_241 = arith.addi %broadcast_in_dim3A_238, %add3A_240 : vector<1024x1xi32>
    %lt3A_242 = arith.cmpf olt, %broadcast_in_dim3A_229, %select_n3A_213 : vector<1024x1xf32>
    %select_n3A_243 = arith.select %lt3A_242, %broadcast_in_dim3A_229, %select_n3A_213 : vector<1024x1xi1>, vector<1024x1xf32>
    %select_n3A_244 = arith.select %lt3A_242, %add3A_241, %select_n3A_214 : vector<1024x1xi1>, vector<1024x1xi32>
    %convert_element_type3A = arith.truncf %select_n3A_119 : vector<1024x1xf32> to vector<1024x1xbf16>
    %convert_element_type3A_245 = arith.extf %convert_element_type3A : vector<1024x1xbf16> to vector<1024x1xf32>
    %lt3A_246 = arith.cmpf olt, %select_n3A_243, %convert_element_type3A_245 : vector<1024x1xf32>
    %select_n3A_247 = arith.select %lt3A_246, %select_n3A_244, %select_n3A_120 : vector<1024x1xi1>, vector<1024x1xi32>
    %swap3A = arith.constant 0 : index
    %swap3A_248 = arith.constant 0 : index
    %swap3A_249 = vector.load %arg5[%swap3A, %swap3A_248] : memref<1024x1xi32, #tpu.memory_space<vmem>>, vector<1024x1xi32>
    tpu.vector_store %arg5[%swap3A, %swap3A_248], %select_n3A_247 {strides = array<i32>} : memref<1024x1xi32, #tpu.memory_space<vmem>>, vector<1024x1xi32>,
    return
  }
  func.func @transform_0(%arg0: i32) -> (i32, i32) {
    %c0_i32 = arith.constant 0 : i32
    %c0_i32_0 = arith.constant 0 : i32
    return %arg0, %c0_i32 : i32, i32
  }
  func.func @transform_1(%arg0: i32) -> (i32, i32) {
    %c0_i32 = arith.constant 0 : i32
    %c0_i32_0 = arith.constant 0 : i32
    %c0_i32_1 = arith.constant 0 : i32
    return %c0_i32, %c0_i32_0 : i32, i32
  }
  func.func @transform_2(%arg0: i32) -> (i32, i32) {
    %c0_i32 = arith.constant 0 : i32
    %c0_i32_0 = arith.constant 0 : i32
    return %arg0, %c0_i32 : i32, i32
  }
  func.func @transform_3(%arg0: i32) -> (i32, i32) {
    %c0_i32 = arith.constant 0 : i32
    %c0_i32_0 = arith.constant 0 : i32
    %c0_i32_1 = arith.constant 0 : i32
    return %c0_i32, %c0_i32_0 : i32, i32
  }
  func.func @transform_4(%arg0: i32) -> (i32, i32) {
    %c0_i32 = arith.constant 0 : i32
    %c0_i32_0 = arith.constant 0 : i32
    return %arg0, %c0_i32 : i32, i32
  }
}

</mosaic_0001>

<sc_bundles>
// kernel: kernel.4.cloned.1.call-start
scs
__scs_entry_jumppad:
0x0: {  	(pc) =	sbr.rel $0x88, $3  }
0x1: {  	(tag) =	ssettag $0x0;
	lr =	simm.s32 $0x1  }
0x2: {  	[smem:$0x3F9F] =	sst lr;
	_ =	strace $0xD0000000  }
0x3: {  	_ = 	snop  }
0x4: {  	_ = 	snop  }
0x5: {  	_ = 	snop  }
0x6: {  	_ = 	snop  }
0x7: {  	_ = 	snop  }
__scs_overlays_trampoline_lowered:
0x8: {  	[smem:$0x3FAE] =	sst s0  }
0x9: {  	[smem:$0x3FAF] =	sst s1  }
0xa: {  	[smem:$0x3FB0] =	sst s2  }
0xb: {  	[smem:$0x3FB1] =	sst s3  }
0xc: {  	[smem:$0x3FB2] =	sst s4  }
0xd: {  	[smem:$0x3FB3] =	sst s5  }
0xe: {  	[smem:$0x3FB4] =	sst s6  }
0xf: {  	[smem:$0x3FB5] =	sst s7  }
0x10: {  	[smem:$0x3FB6] =	sst s8  }
0x11: {  	[smem:$0x3FB7] =	sst s9;
	s0 =	simm.s32 @!p0 $0x0  }
0x12: {  	s1 =	sld [smem:$0x3F9D];
	s0 =	simm.s32 @p0 $0x1  }
0x13: {  	[smem:$0x3FB8] =	sst s0;
	s0 =	simm.s32 @!p1 $0x0  }
0x14: {  	s2 =	sld [smem:$0x3F9C];
	s0 =	simm.s32 @p1 $0x1  }
0x15: {  	[smem:$0x3FB9] =	sst s0;
	s0 =	simm.s32 @!p2 $0x0  }
0x16: {  	s3 =	sld [smem:$0x3FDB];
	s0 =	simm.s32 @p2 $0x1  }
0x17: {  	s4 =	simm.s32 $0x1BF5;
	[smem:$0x3FBB] =	sst s0  }
0x18: {  	s0 =	sld [smem:$0x3F9E];
	_ =	swait.ge [sflag:s4], $0x0  }
0x19: {  	s7 =	sld [smem:$0x3F9F]  }
0x1a: {  	s8 =	sadd.s32 $0xFFFFE003, lr  }
0x1b: {  	s9 =	sadd.s32 $0xFFFFFEF7, lr;
	s5 =	simm.s32 $0xFFFFFFFF;
	p2 =	slt.u32 s8, $0xFFFFF086  }
0x1c: {  	p1 =	slt.u32 s9, $0xF7A;
	s5 =	simm.s32 @!p2 $0x0  }
0x1d: {  	s5 =	simm.s32 @p1 $0x1;
	p0 =	seq.s32 s7, s2  }
0x1e: {  	s7 =	smul.u32 @!p0 $0xF7A, s2;
	p2 =	seq.s32 @!p0 s5, $0x0  }
0x1f: {  	s9 =	smul.u32 $0xF7A, s1;
	s8 =	simm.s32 @!p0 $0x1BF5;
	p2 =	por !p2, p0  }
0x20: {  	[sflag:s8] =	ssyncset.s32 @!p0 $0xFFFFF086;
	s6 =	sadd.s32 @!p0 s3, s7;
	s7 =	simm.s32 @!p0 $0x108  }
0x21: {  	s3 =	sadd.s32 s3, s9;
	s6 =	sadd.s32 @!p0 $0x88, s6;
	s7 =	simm.s32 @p2 $0x1082  }
0x22: {  	[simem:s7], [sflag:s8] =	dma.local @!p0 [hbm:s6], $0xF7A  }
0x23: {  	s9 =	sor.u32 $0xD0000000, s2;
	s6 =	simm.s32 $0x108;
	_ =	swait.ge @!p0 [sflag:s8], $0x0  }
0x24: {  	s3 =	sadd.s32 $0x88, s3;
	s6 =	simm.s32 @!p1 $0x1082;
	[sflag:s4] =	ssyncset.s32 $0xFFFFF086  }
0x25: {  	[simem:s6], [sflag:s4] =	dma.local [hbm:s3], $0xF7A  }
0x26: {  	[smem:$0x3F9F] =	sst s1;
	(tag) =	ssettag s2;
	_ =	strace s9  }
0x27: {  	s1 =	sld [smem:$0x3FAF]  }
0x28: {  	s2 =	sld [smem:$0x3FB0]  }
0x29: {  	s4 =	sld [smem:$0x3FB2]  }
0x2a: {  	p0 =	seq.s32 s5, $0x0;
	s5 =	sld [smem:$0x3FB3]  }
0x2b: {  	s6 =	sld [smem:$0x3FB4]  }
0x2c: {  	s7 =	sld [smem:$0x3FB5]  }
0x2d: {  	s3 =	simm.s32 $0x108;
	s8 =	sld [smem:$0x3FB6]  }
0x2e: {  	s3 =	simm.s32 @!p0 $0x1082;
	s9 =	sld [smem:$0x3FB7]  }
0x2f: {  	lr =	sadd.s32 s0, s3;
	s0 =	sld [smem:$0x3FAE]  }
0x30: {  	s3 =	sld [smem:$0x3FB1]  }
0x31: {  	[smem:$0x3FBA] =	sst s10  }
0x32: {  	s10 =	sld [smem:$0x3FB8];
	_ =	sdelay $0x3  }
0x33: {  	p0 =	seq.s32 s10, $0x1;
	s10 =	sld [smem:$0x3FBA];
	_ =	sdelay $0x3  }
0x34: {  	[smem:$0x3FBA] =	sst s10  }
0x35: {  	s10 =	sld [smem:$0x3FB9];
	_ =	sdelay $0x3  }
0x36: {  	p1 =	seq.s32 s10, $0x1;
	s10 =	sld [smem:$0x3FBA];
	_ =	sdelay $0x3  }
0x37: {  	[smem:$0x3FBA] =	sst s10  }
0x38: {  	s10 =	sld [smem:$0x3FBB]  }
0x39: {  	_ = 	snop;
	(pc) =	sbr.ind lr, $3  }
0x3a: {  	_ = 	snop  }
0x3b: {  	_ = 	snop  }
0x3c: {  	p2 =	seq.s32 s10, $0x1;
	s10 =	sld [smem:$0x3FBA]  }
0x3d: {  	_ =	shalt  }
0x3e: {  	_ =	shalt  }
0x3f: {  	_ =	shalt  }
0x40: {  	_ =	shalt  }
0x41: {  	_ =	shalt  }
0x42: {  	_ =	shalt  }
0x43: {  	_ =	shalt  }
0x44: {  	_ =	shalt  }
0x45: {  	_ =	shalt  }
0x46: {  	_ =	shalt  }
0x47: {  	_ =	shalt  }
0x48: {  	_ =	shalt  }
0x49: {  	_ =	shalt  }
0x4a: {  	_ =	shalt  }
0x4b: {  	_ =	shalt  }
0x4c: {  	_ =	shalt  }
0x4d: {  	_ =	shalt  }
0x4e: {  	_ =	shalt  }
0x4f: {  	_ =	shalt  }
0x50: {  	_ =	shalt  }
0x51: {  	_ =	shalt  }
0x52: {  	_ =	shalt  }
0x53: {  	_ =	shalt  }
0x54: {  	_ =	shalt  }
0x55: {  	_ =	shalt  }
0x56: {  	_ =	shalt  }
0x57: {  	_ =	shalt  }
0x58: {  	_ =	shalt  }
0x59: {  	_ =	shalt  }
0x5a: {  	_ =	shalt  }
0x5b: {  	_ =	shalt  }
0x5c: {  	_ =	shalt  }
0x5d: {  	_ =	shalt  }
0x5e: {  	_ =	shalt  }
0x5f: {  	_ =	shalt  }
0x60: {  	_ =	shalt  }
0x61: {  	_ =	shalt  }
0x62: {  	_ =	shalt  }
0x63: {  	_ =	shalt  }
0x64: {  	_ =	shalt  }
0x65: {  	_ =	shalt  }
0x66: {  	_ =	shalt  }
0x67: {  	_ =	shalt  }
0x68: {  	_ =	shalt  }
0x69: {  	_ =	shalt  }
0x6a: {  	_ =	shalt  }
0x6b: {  	_ =	shalt  }
0x6c: {  	_ =	shalt  }
0x6d: {  	_ =	shalt  }
0x6e: {  	_ =	shalt  }
0x6f: {  	_ =	shalt  }
0x70: {  	_ =	shalt  }
0x71: {  	_ =	shalt  }
0x72: {  	_ =	shalt  }
0x73: {  	_ =	shalt  }
0x74: {  	_ =	shalt  }
0x75: {  	_ =	shalt  }
0x76: {  	_ =	shalt  }
0x77: {  	_ =	shalt  }
0x78: {  	_ =	shalt  }
0x79: {  	_ =	shalt  }
0x7a: {  	_ =	shalt  }
0x7b: {  	_ =	shalt  }
0x7c: {  	_ =	shalt  }
0x7d: {  	_ =	shalt  }
0x7e: {  	_ =	shalt  }
0x7f: {  	_ =	shalt  }
0x80: {  	_ =	shalt  }
0x81: {  	_ =	shalt  }
0x82: {  	_ =	shalt  }
0x83: {  	_ =	shalt  }
0x84: {  	_ =	shalt  }
0x85: {  	_ =	shalt  }
0x86: {  	_ =	shalt  }
0x87: {  	_ =	shalt  }
.Lfunc_end0:
.L_simem_size_0:
called_computation_lowered:
.L_overlay_start_0:
0x88: {  	s2 =	sld [smem:$0x3FD9]  }
0x89: {  	s3 =	sld [smem:$0x3FFE];
	_ =	sdelay $0x1  }
0x8a: {  	s1 =	srdreg.scid  }
0x8b: {  	s0 =	sand.u32 $0x1, s1  }
0x8c: {  	s14 =	sshll.u32 s0, $0xA;
	s2 =	sadd.s32 s3, s2  }
0x8d: {  	s2 =	sadd.s32 s2, s14  }
0x8e: {  	[smem:$0x3FC6] =	sst s2  }
0x8f: {  	_ = 	snop  }
0x90: {  	s2 =	sld [smem:$0x3FD0];
	_ =	sdelay $0x2  }
0x91: {  	s15 =	simm.s32 $0xA;
	s4 =	simm.s32 $0x10  }
0x92: {  	[smem:s4], [sflag:s15] =	dma.local [hbm:s2], $0x1  }
0x93: {  	_ =	swait.eq [sflag:s15], $0x1  }
0x94: {  	[sflag:s15] =	ssyncset.done $0x0  }
0x95: {  	s16 =	sld [smem:$0x10];
	[sflag:s15] =	ssyncadd.s32 $0xFFFFFFFF  }
0x96: {  	s17 =	sld [smem:$0x11];
	(tm) =	ssettm $0x1  }
0x97: {  	s18 =	sld [smem:$0x3FFB];
	_ =	sdelay $0x3  }
0x98: {  	_ =	strace s18  }
0x99: {  	s4 =	sld [smem:$0x3FFC];
	_ =	sdelay $0x3  }
0x9a: {  	_ =	strace s4  }
0x9b: {  	s4 =	sld [smem:$0x3FFD];
	_ =	sdelay $0x3  }
0x9c: {  	_ =	strace s4  }
0x9d: {  	_ =	strace $0x8FFFFFFF  }
0x9e: {  	s19 =	sld [smem:$0x3FDB];
	_ =	sdelay $0x1  }
0x9f: {  	s5 =	simm.s32 $_scs_section_size  }
0xa0: {  	s6 =	simm.s32 $_size__tile_overlayer_lowered;
	s7 =	simm.s32 $_tile_overlayer_lowered  }
0xa1: {  	s22 =	simm.s32 $0x1BFF;
	s21 =	sshll.u32 s7, $0x1;
	s4 =	sadd.s32 s5, s19  }
0xa2: {  	s8 =	simm.s32 $0x0;
	s20 =	sshll.u32 s6, $0x1;
	s6 =	sadd.s32 s21, s4  }
0xa3: {  	[timem:s8], [sflag:s22] =	dma.local [hbm:s6], s20  }
0xa4: {  	_ =	swait.ge [sflag:s22], s20  }
0xa5: {  	s5 =	ssub.s32 $0x0, s20;
	[sflag:s22] =	ssyncset.done $0x0  }
0xa6: {  	[sflag:s22] =	ssyncadd.s32 s5;
	_ =	sdelay $0x1  }
0xa7: {  	s23 =	simm.s32 $0x1B8B  }
0xa8: {  	_ =	swait.ge [sflag:s23], $0x1  }
0xa9: {  	[sflag:s23] =	ssyncset.done $0x0  }
0xaa: {  	s25 =	simm.s32 $0x1B8E;
	s24 =	sld [smem:$0x3FFE];
	[sflag:s23] =	ssyncadd.s32 $0xFFFFFFFF  }
0xab: {  	s26 =	simm.s32 $execute0_lowered;
	[smem:$0x3FD2] =	sst s25  }
0xac: {  	s6 =	sshll.u32 s26, $0x1;
	_ =	strace $0x80000046;
	[dreg:$0x1] =	wrdreg $0xFFFFFFFF  }
0xad: {  	s28 =	simm.s32 $_size_execute0_lowered;
	s4 =	sadd.s32 s4, s6;
	[dreg:$0x0] =	wrdreg $0x0  }
0xae: {  	s6 =	sshll.u32 s28, $0x1;
	[dreg:$0x2] =	wrdreg s4  }
0xaf: {  	[dreg:$0x3] =	wrdreg s6  }
0xb0: {  	[dreg:$0x4] =	wrdreg $0xC0  }
0xb1: {  	_ =	task [dreg:s8], $0x5FFFF  }
0xb2: {  	[dreg:$0x1] =	wrdreg $0xFFFFFFFF  }
0xb3: {  	[dreg:$0x0] =	wrdreg $0x60  }
0xb4: {  	[dreg:$0x2] =	wrdreg s24  }
0xb5: {  	[dreg:$0x3] =	wrdreg s17  }
0xb6: {  	[dreg:$0x4] =	wrdreg s16  }
0xb7: {  	[dreg:$0x5] =	wrdreg $0x9  }
0xb8: {  	_ =	task.clear_ibuf [dreg:s8], $0x6FFFF;
	_ =	strace $0x90000046  }
0xb9: {  	s29 =	simm.s32 $0x9;
	_ =	strace $0x80000048  }
0xba: {  	_ =	swait.ge [sflag:s29], $0x1  }
0xbb: {  	[sflag:s29] =	ssyncadd.s32 $0xFFFFFFFF  }
0xbc: {  	_ =	strace $0x90000048  }
0xbd: {  	_ =	sfence  }
0xbe: {  	s30 =	sld [smem:$0x0];
	_ =	sdelay $0x2  }
0xbf: {  	s31 =	sshll.u32 s1, $0xD;
	s1 =	sshrl.u32 s1, $0x2  }
0xc0: {  	s3 =	sand.u32 $0x4000, s31;
	s1 =	sadd.s32 s1, s30  }
0xc1: {  	s0 =	sor.u32 s3, s0;
	s1 =	sshll.u32 s1, $0x11  }
0xc2: {  	s0 =	sor.u32 s1, s0  }
0xc3: {  	s0 =	sadd.s32 $0x8F2B, s0  }
0xc4: {  	[sflag:s0] =	ssyncadd.remote.s32 $0x1  }
0xc5: {  	_ =	sfence.sel $0xFFFF  }
0xc6: {  	[dreg:$0x0] =	wrdreg $0xFFFFFFFF;
	(pc) =	sbr.abs _section_cstart, $3  }
0xc7: {  	[dreg:$0x1] =	wrdreg $0xFFFFFFFF  }
0xc8: {  	_ =	task.clear_ibuf [dreg:s8], $0x2FFFF;
	_ =	strace $0x9FFFFFFF  }
0xc9: {  	(tm) =	ssettm $0x7FFFFFFF  }
tec
execute0_lowered:
.L_overlay_start_1:
0x0: {  	(tag) =	ssettag $0x1  }
0x1: {  	s5 =	rddreg [dreg:$0x0]  }
0x2: {  	s1 =	srdreg.scid;
	s0 =	stileid.u32  }
0x3: {  	s3 =	rddreg [dreg:$0x1];
	s6 =	sand.u32 $0x1, s1;
	s30 =	sshll.u32 s0, $0x1  }
0x4: {  	s8 =	rddreg [dreg:$0x2];
	s2 =	simm.s32 $0x0;
	s9 =	sor.u32 s6, s30  }
0x5: {  	[smem:$0x7FF] =	sst s2;
	s4 =	smul.u32 $0x48, s9  }
0x6: {  	s1 =	rddreg [dreg:$0x3];
	_ =	strace $0x80000047  }
0x7: {  	s10 =	ssub.s32 $0x2, s6;
	s4 =	sadd.s32 s3, s4;
	s3 =	simm.s32 $0x2  }
0x8: {  	[tilespmem:s2], [sflag:$0x2] =	stream.linear.gather [hbm4b:s4+s2], $0x240, $0x38;
	[tilespmem:$0x9240] =	vst v63  }
0x9: {  	s7 =	simm.s32 $0x1;
	s11 =	sshrl.u32 s10, $0x1;
	_ =	swait.ge [sflag:s3], $0x240  }
0xa: {  	s5 =	sadd.s32 $0x90000, s5;
	s10 =	ssub.s32 s10, s11;
	[sflag:s3] =	ssyncset.done $0x0  }
0xb: {  	s6 =	simm.s32 $0x240;
	s31 =	smax.u32 s10, $0x1;
	[sflag:s3] =	ssyncadd.s32 $0xFFFFFDC0  }
0xc: {  	[tilespmem:s6], [sflag:$0x1] =	stream.indirect.gather [hbm4b:s5+s6], $0x40, s2, s6, $0xb8;
	[tilespmem:$0x9240] =	vst v63  }
0xd: {  	s9 =	smul.u32 $0x1200, s9;
	p0 =	sne.s32 s31, $0x1;
	_ =	swait.ge [sflag:s7], $0x9000  }
.Ltmp0:
0xe: {  	[sflag:s7] =	ssyncset.done $0x0;
	(pc) =	sbr.rel @!p0 .LBB2_2-.Ltmp0, $4  }
0xf: {  	s8 =	sadd.s32 s8, s9;
	[sflag:s7] =	ssyncadd.s32 $0xFFFF7000  }
0x10: {  	[hbm4b:s8+s2] =	stream.linear.scatter [tilespmem:s6], [sflag:$0x2], $0x9000, $0x38;
	[tilespmem:$0x9240] =	vst v63  }
0x11: {  	_ =	swait.ge [sflag:s3], $0x9000  }
0x12: {  	s9 =	sadd.s32 $0xFFFFFFFF, s31;
	[sflag:s3] =	ssyncset.done $0x0  }
.LBB2_1:
0x13: {  	p0 =	sne.s32 s9, $0x1;
	s9 =	sadd.s32 $0xFFFFFFFF, s9;
	[sflag:s3] =	ssyncadd.s32 $0xFFFF7000  }
0x14: {  	[tilespmem:s2], [sflag:$0x2] =	stream.linear.gather [hbm4b:s4+s2], $0x240, $0x38;
	[tilespmem:$0x9240] =	vst v63  }
0x15: {  	_ =	swait.ge [sflag:s3], $0x240  }
0x16: {  	[sflag:s3] =	ssyncset.done $0x0  }
0x17: {  	[sflag:s3] =	ssyncadd.s32 $0xFFFFFDC0  }
0x18: {  	[tilespmem:s6], [sflag:$0x1] =	stream.indirect.gather [hbm4b:s5+s6], $0x40, s2, s6, $0xb8;
	[tilespmem:$0x9240] =	vst v63  }
0x19: {  	_ =	swait.ge [sflag:s7], $0x9000  }
.Ltmp1:
0x1a: {  	[sflag:s7] =	ssyncset.done $0x0;
	(pc) =	sbr.rel @p0 .LBB2_1-.Ltmp1, $4  }
0x1b: {  	[sflag:s7] =	ssyncadd.s32 $0xFFFF7000  }
0x1c: {  	[hbm4b:s8+s2] =	stream.linear.scatter [tilespmem:s6], [sflag:$0x2], $0x9000, $0x38;
	[tilespmem:$0x9240] =	vst v63  }
0x1d: {  	_ =	swait.ge [sflag:s3], $0x9000  }
0x1e: {  	[sflag:s3] =	ssyncset.done $0x0  }
.LBB2_2:
0x1f: {  	[sflag:s3] =	ssyncadd.s32 $0xFFFF7000  }
0x20: {  	_ =	sfence.sel $0x180000  }
0x21: {  	[bflag:$0x0] =	sbarrier.arrive $0xFFFF  }
0x22: {  	p0 =	sne.s32 s0, $0x0;
	_ =	strace $0x90000047  }
0x23: {  	s0 =	sadd.s32 @!p0 $0x100000, s1;
	[bflag:$0x2] =	sbarrier.arrive $0xFFFF  }
0x24: {  	[sflag:s0] =	ssyncadd.tile.s32 @!p0 $0x1;
	_ =	shalt  }
.Lfunc_end2:
_tile_overlayer_lowered:
.L_overlay_start_2:
0x25: {  	(tag) =	ssettag $0x2  }
0x26: {  	s0 =	rddreg [dreg:$0x0];
	s2 =	stileid.u32  }
0x27: {  	s1 =	rddreg [dreg:$0x1];
	p0 =	sne.s32 s2, $0x0  }
0x28: {  	s3 =	rddreg [dreg:$0x2];
	[bflag:$0x3] =	sbarrier.arrive $0xFFFF;
	s2 =	simm.s32 @!p0 $0x1C02  }
0x29: {  	[timem:s3], [sflag:s2] =	dma.local @!p0 [hbm:s0], s1  }
0x2a: {  	s0 =	simm.s32 @!p0 $0x2  }
0x2b: {  	_ =	swait.ge @!p0 [sflag:s0], s1  }
0x2c: {  	s1 =	ssub.s32 @!p0 $0x0, s1;
	[sflag:s0] =	ssyncset.done @!p0 $0x0  }
0x2d: {  	[sflag:s0] =	ssyncadd.s32 @!p0 s1  }
0x2e: {  	[bflag:$0x3] =	sbarrier.arrive $0xFFFF  }
0x2f: {  	_ =	shalt  }

</sc_bundles>
